<compile_context>
chip_gen: v7x
topology: tpu7x:2x2x1
jax: 0.10.2.dev20260603
libtpu: 0.0.44.dev20260713+nightly
codegen_flags: <defaults>
</compile_context>

<pallas_src>
import functools

import jax
import jax.numpy as jnp
from jax import lax
from jax.experimental import pallas as pl
from jax.experimental.pallas import tpu as pltpu
from jax.experimental.pallas import tpu_sc as plsc

B = 16384
D_ID = 128
BB = 4096
K_SMALL = 264


def _make_sc_gather(V, D, batch):
    info = plsc.get_sparse_core_info()
    NC, NS = info.num_cores, info.num_subcores
    NW = NC * NS
    b_per_w = batch // NW
    mesh = plsc.VectorSubcoreMesh(core_axis_name="c", subcore_axis_name="s")

    nch = 4
    C = b_per_w // nch

    @functools.partial(
        pl.kernel,
        mesh=mesh,
        out_type=jax.ShapeDtypeStruct((batch, D), jnp.float32),
        scratch_types=[
            pltpu.VMEM((b_per_w,), jnp.int32),
            pltpu.VMEM((b_per_w, D), jnp.float32),
            pltpu.SemaphoreType.DMA,
            pltpu.SemaphoreType.DMA,
            pltpu.SemaphoreType.DMA,
        ],
    )
    def sc_gather(table_hbm, idx_hbm, out_hbm, idx_v, rows_v, gs0, gs1, ws):
        wid = lax.axis_index("s") * NC + lax.axis_index("c")
        base = wid * b_per_w
        pltpu.sync_copy(idx_hbm.at[pl.ds(base, b_per_w)], idx_v)
        gsems = (gs0, gs1)
        gh = [
            pltpu.async_copy(table_hbm.at[idx_v.at[pl.ds(c * C, C)]],
                             rows_v.at[pl.ds(c * C, C)], gsems[c % 2])
            for c in range(nch)
        ]
        wh = []
        for c in range(nch):
            gh[c].wait()
            wh.append(pltpu.async_copy(
                rows_v.at[pl.ds(c * C, C)],
                out_hbm.at[pl.ds(base + c * C, C)], ws))
        for h in wh:
            h.wait()

    return sc_gather


def _mlp_body(cidx_ref, rows_ref, gt_ref, ut_ref, tt_ref, st_ref,
              w1_ref, b1_ref, w2_ref, b2_ref, out_ref, mall_ref):
    f32 = jnp.float32

    @pl.when(pl.program_id(0) == 0)
    def _fold():
        mall_ref[0:16, :] = (jnp.dot(gt_ref[...], w1_ref[0:32, :],
                                     preferred_element_type=f32) * 2.0
                             + b1_ref[...])
        mall_ref[16:40, :] = jnp.dot(ut_ref[...], w1_ref[32:64, :],
                                     preferred_element_type=f32)
        mall_ref[40:248, :] = jnp.dot(tt_ref[...], w1_ref[64:96, :],
                                      preferred_element_type=f32)
        mall_ref[248:264, :] = jnp.dot(st_ref[...], w1_ref[96:128, :],
                                       preferred_element_type=f32)

    iota = lax.broadcasted_iota(jnp.int32, (BB, K_SMALL), 1)
    sel = jnp.where(iota < 16, cidx_ref[:, 0:1],
                    jnp.where(iota < 40, cidx_ref[:, 1:2],
                              jnp.where(iota < 248, cidx_ref[:, 2:3],
                                        cidx_ref[:, 3:4])))
    mh = (iota == sel).astype(f32)
    x1t = (lax.dot_general(mall_ref[...], mh, (((0,), (1,)), ((), ())),
                           preferred_element_type=f32)
           + lax.dot_general(w1_ref[128:256, :], rows_ref[...],
                             (((0,), (1,)), ((), ())),
                             preferred_element_type=f32))
    ht = jnp.maximum(x1t, 0.0)
    out_ref[...] = lax.dot_general(w2_ref[...], ht, (((0,), (0,)), ((), ())),
                                   preferred_element_type=f32) + b2_ref[...]


def _pad_rows(t, rows):
    return jnp.pad(t, ((0, rows - t.shape[0]), (0, 0)))


def kernel(gender_idx, usage_idx, articleType_idx, season_idx, id_idx,
           gender_table, usage_table, type_table, season_table, id_table,
           W1, b1, W2, b2):
    i32 = jnp.int32
    cidx = jnp.stack([
        gender_idx.astype(i32),
        usage_idx.astype(i32) + 16,
        articleType_idx.astype(i32) + 40,
        season_idx.astype(i32) + 248,
    ], axis=-1)
    ids = id_idx.astype(i32)

    rows = _make_sc_gather(id_table.shape[0], D_ID, B)(id_table, ids)

    gt = _pad_rows(gender_table, 16)
    ut = _pad_rows(usage_table, 24)
    tt = _pad_rows(type_table, 208)
    st = _pad_rows(season_table, 16)

    grid = (B // BB,)
    full = lambda shape: pl.BlockSpec(shape, lambda i: (0,) * len(shape))
    out = pl.pallas_call(
        _mlp_body,
        grid=grid,
        in_specs=[
            pl.BlockSpec((BB, 4), lambda i: (i, 0)),
            pl.BlockSpec((BB, D_ID), lambda i: (i, 0)),
            full((16, 32)), full((24, 32)), full((208, 32)), full((16, 32)),
            full((256, 64)), full((1, 64)), full((64, 32)), full((32, 1)),
        ],
        out_specs=pl.BlockSpec((32, BB), lambda i: (0, i)),
        out_shape=jax.ShapeDtypeStruct((32, B), jnp.float32),
        scratch_shapes=[pltpu.VMEM((K_SMALL, 64), jnp.float32)],
    )(cidx, rows, gt, ut, tt, st,
      W1.astype(jnp.float32), b1.reshape(1, 64), W2, b2.reshape(32, 1))
    return out.T

# --- scband reference (transcript-rebuilt; emitter-appended) ---
"""Pipeline reference for scband-candidate-50921132261622 (READ-ONLY COPY).

The authoritative reference and input builder live on the scoring server;
editing this copy changes nothing except your own understanding.
"""

import jax, jax.numpy as jnp
import numpy as np

B = 16384
DIM = 32
V_GENDER = 9
V_USAGE = 17
V_TYPE = 201
V_SEASON = 9
V_ID = 100001


def setup_inputs(seed: int = 0) -> dict:
    key = jax.random.key(seed)
    ks = jax.random.split(key, 14)
    inp = {}
    inp["gender_idx"] = jax.random.randint(ks[0], (B,), 0, V_GENDER, dtype=jnp.int64 if jax.config.jax_enable_x64 else jnp.int32)
    inp["usage_idx"] = jax.random.randint(ks[1], (B,), 0, V_USAGE)
    inp["articleType_idx"] = jax.random.randint(ks[2], (B,), 0, V_TYPE)
    inp["season_idx"] = jax.random.randint(ks[3], (B,), 0, V_SEASON)
    inp["id_idx"] = jax.random.randint(ks[4], (B,), 0, V_ID)
    # Learned parameters (Embedding tables, Keras default uniform init ~ small values)
    inp["gender_table"] = jax.random.normal(ks[5], (V_GENDER, DIM), dtype=jnp.float32) * 0.05
    inp["usage_table"] = jax.random.normal(ks[6], (V_USAGE, DIM), dtype=jnp.float32) * 0.05
    inp["type_table"] = jax.random.normal(ks[7], (V_TYPE, DIM), dtype=jnp.float32) * 0.05
    inp["season_table"] = jax.random.normal(ks[8], (V_SEASON, DIM), dtype=jnp.float32) * 0.05
    inp["id_table"] = jax.random.normal(ks[9], (V_ID, DIM * 4), dtype=jnp.float32) * 0.05
    # deep_cand MLP: Dense(64, relu) -> Dense(32); concat width = 4*DIM + 4*DIM = 256
    concat_dim = DIM * 4 + DIM * 4
    inp["W1"] = jax.random.normal(ks[10], (concat_dim, 64), dtype=jnp.float32) * 0.05
    inp["b1"] = jnp.zeros((64,), dtype=jnp.float32)
    inp["W2"] = jax.random.normal(ks[11], (64, 32), dtype=jnp.float32) * 0.05
    inp["b2"] = jnp.zeros((32,), dtype=jnp.float32)
    return inp


def reference(gender_idx, usage_idx, articleType_idx, season_idx, id_idx,
              gender_table, usage_table, type_table, season_table, id_table,
              W1, b1, W2, b2):
    # StringLookup is modeled as pre-computed integer indices; Embedding -> gather
    g = jnp.take(gender_table, gender_idx, axis=0) * 2.0
    u = jnp.take(usage_table, usage_idx, axis=0)
    t = jnp.take(type_table, articleType_idx, axis=0)
    s = jnp.take(season_table, season_idx, axis=0)
    i = jnp.take(id_table, id_idx, axis=0)
    x = jnp.concatenate([g, u, t, s, i], axis=1)
    h = jax.nn.relu(x @ W1 + b1)
    return h @ W2 + b2

if __name__ == "__main__":
    import jax
    _d = setup_inputs()
    print(jax.jit(kernel)(*tuple(_d.values())))

</pallas_src>

<mosaic_0001>
#map = affine_map<(d0, d1) -> (0, 0)>
#map1 = affine_map<(d0, d1) -> (0)>
module attributes {stable_mosaic.version = 14 : i64} {
  func.func @sc_gather(%arg0: i32, %arg1: i32, %arg2: memref<100001x128xf32, #tpu.memory_space<hbm>>, %arg3: memref<16384xi32, #tpu.memory_space<hbm>>, %arg4: memref<16384x128xf32, #tpu.memory_space<hbm>>, %arg5: memref<512xi32, #tpu.memory_space<vmem>>, %arg6: memref<512x128xf32, #tpu.memory_space<vmem>>, %arg7: memref<!tpu.dma_semaphore, #tpu.memory_space<semaphore_mem>>, %arg8: memref<!tpu.dma_semaphore, #tpu.memory_space<semaphore_mem>>, %arg9: memref<!tpu.dma_semaphore, #tpu.memory_space<semaphore_mem>>) attributes {dimension_semantics = [#tpu.dimension_semantics<core_parallel>, #tpu.dimension_semantics<subcore_parallel>], iteration_bounds = array<i64: 2, 16>, scalar_prefetch = 0 : i64, scratch_operands = 5 : i64, tpu.core_type = #tpu.core_type<sc_vector_subcore>, window_params = [{transform_indices = #map}, {transform_indices = #map1}, {transform_indices = #map}]} {
    %mul3A = arith.constant 2 : i32
    %mul3A_0 = arith.muli %arg1, %mul3A : i32
    %add3A = arith.addi %mul3A_0, %arg0 : i32
    %mul3A_1 = arith.constant 512 : i32
    %mul3A_2 = arith.muli %add3A, %mul3A_1 : i32
    "tpu.region"() ({
      %run_scoped3A = tpu.sem_alloc : memref<!tpu.dma_semaphore, #tpu.memory_space<semaphore_mem>>
      %dma_start3A_153 = tpu.memref_slice %arg3[%mul3A_2] : memref<16384xi32, #tpu.memory_space<hbm>> -> memref<512xi32, #tpu.memory_space<hbm>>
      %dma_start3A_154 = tpu.memref_slice %arg3[%mul3A_2] : memref<16384xi32, #tpu.memory_space<hbm>> -> memref<512xi32, #tpu.memory_space<hbm>>
      tpu.enqueue_dma source(%dma_start3A_154 : memref<512xi32, #tpu.memory_space<hbm>>) target(%arg5 : memref<512xi32, #tpu.memory_space<vmem>>) target_semaphore(%run_scoped3A : memref<!tpu.dma_semaphore, #tpu.memory_space<semaphore_mem>>)
      %dma_wait3A_155 = tpu.memref_slice %arg3[%mul3A_2] : memref<16384xi32, #tpu.memory_space<hbm>> -> memref<512xi32, #tpu.memory_space<hbm>>
      %dma_wait3A_156 = tpu.memref_slice %arg3[%mul3A_2] : memref<16384xi32, #tpu.memory_space<hbm>> -> memref<512xi32, #tpu.memory_space<hbm>>
      tpu.wait_dma2 semaphore(%run_scoped3A : memref<!tpu.dma_semaphore, #tpu.memory_space<semaphore_mem>>) src(%dma_wait3A_156 : memref<512xi32, #tpu.memory_space<hbm>>) dst(%arg5 : memref<512xi32, #tpu.memory_space<vmem>>)
      tpu.yield
    }) : () -> ()
    %dma_start3A = arith.constant 0 : i32
    %dma_start3A_3 = arith.constant 0 : i32
    %dma_start3A_4 = tpu.memref_slice %arg6[%dma_start3A, %dma_start3A_3] : memref<512x128xf32, #tpu.memory_space<vmem>> -> memref<128x128xf32, #tpu.memory_space<vmem>>
    %dma_start3A_5 = arith.constant 0 : i32
    %dma_start3A_6 = tpu.memref_slice %arg5[%dma_start3A_5] : memref<512xi32, #tpu.memory_space<vmem>> -> memref<128xi32, #tpu.memory_space<vmem>>
    %dma_start3A_7 = arith.constant 0 : i32
    %dma_start3A_8 = arith.constant 0 : i32
    %dma_start3A_9 = tpu.memref_slice %arg2[%dma_start3A_7, %dma_start3A_8] : memref<100001x128xf32, #tpu.memory_space<hbm>> -> memref<100001x128xf32, #tpu.memory_space<hbm>>
    tpu.enqueue_indirect_dma source(%dma_start3A_9 : memref<100001x128xf32, #tpu.memory_space<hbm>>) target(%dma_start3A_4 : memref<128x128xf32, #tpu.memory_space<vmem>>) offsets(%dma_start3A_6 : memref<128xi32, #tpu.memory_space<vmem>>) semaphore(%arg7 : memref<!tpu.dma_semaphore, #tpu.memory_space<semaphore_mem>>)
    %dma_start3A_10 = arith.constant 128 : i32
    %dma_start3A_11 = arith.constant 0 : i32
    %dma_start3A_12 = tpu.memref_slice %arg6[%dma_start3A_10, %dma_start3A_11] : memref<512x128xf32, #tpu.memory_space<vmem>> -> memref<128x128xf32, #tpu.memory_space<vmem>>
    %dma_start3A_13 = arith.constant 128 : i32
    %dma_start3A_14 = tpu.memref_slice %arg5[%dma_start3A_13] : memref<512xi32, #tpu.memory_space<vmem>> -> memref<128xi32, #tpu.memory_space<vmem>>
    %dma_start3A_15 = arith.constant 0 : i32
    %dma_start3A_16 = arith.constant 0 : i32
    %dma_start3A_17 = tpu.memref_slice %arg2[%dma_start3A_15, %dma_start3A_16] : memref<100001x128xf32, #tpu.memory_space<hbm>> -> memref<100001x128xf32, #tpu.memory_space<hbm>>
    tpu.enqueue_indirect_dma source(%dma_start3A_17 : memref<100001x128xf32, #tpu.memory_space<hbm>>) target(%dma_start3A_12 : memref<128x128xf32, #tpu.memory_space<vmem>>) offsets(%dma_start3A_14 : memref<128xi32, #tpu.memory_space<vmem>>) semaphore(%arg8 : memref<!tpu.dma_semaphore, #tpu.memory_space<semaphore_mem>>)
    %dma_start3A_18 = arith.constant 256 : i32
    %dma_start3A_19 = arith.constant 0 : i32
    %dma_start3A_20 = tpu.memref_slice %arg6[%dma_start3A_18, %dma_start3A_19] : memref<512x128xf32, #tpu.memory_space<vmem>> -> memref<128x128xf32, #tpu.memory_space<vmem>>
    %dma_start3A_21 = arith.constant 256 : i32
    %dma_start3A_22 = tpu.memref_slice %arg5[%dma_start3A_21] : memref<512xi32, #tpu.memory_space<vmem>> -> memref<128xi32, #tpu.memory_space<vmem>>
    %dma_start3A_23 = arith.constant 0 : i32
    %dma_start3A_24 = arith.constant 0 : i32
    %dma_start3A_25 = tpu.memref_slice %arg2[%dma_start3A_23, %dma_start3A_24] : memref<100001x128xf32, #tpu.memory_space<hbm>> -> memref<100001x128xf32, #tpu.memory_space<hbm>>
    tpu.enqueue_indirect_dma source(%dma_start3A_25 : memref<100001x128xf32, #tpu.memory_space<hbm>>) target(%dma_start3A_20 : memref<128x128xf32, #tpu.memory_space<vmem>>) offsets(%dma_start3A_22 : memref<128xi32, #tpu.memory_space<vmem>>) semaphore(%arg7 : memref<!tpu.dma_semaphore, #tpu.memory_space<semaphore_mem>>)
    %dma_start3A_26 = arith.constant 384 : i32
    %dma_start3A_27 = arith.constant 0 : i32
    %dma_start3A_28 = tpu.memref_slice %arg6[%dma_start3A_26, %dma_start3A_27] : memref<512x128xf32, #tpu.memory_space<vmem>> -> memref<128x128xf32, #tpu.memory_space<vmem>>
    %dma_start3A_29 = arith.constant 384 : i32
    %dma_start3A_30 = tpu.memref_slice %arg5[%dma_start3A_29] : memref<512xi32, #tpu.memory_space<vmem>> -> memref<128xi32, #tpu.memory_space<vmem>>
    %dma_start3A_31 = arith.constant 0 : i32
    %dma_start3A_32 = arith.constant 0 : i32
    %dma_start3A_33 = tpu.memref_slice %arg2[%dma_start3A_31, %dma_start3A_32] : memref<100001x128xf32, #tpu.memory_space<hbm>> -> memref<100001x128xf32, #tpu.memory_space<hbm>>
    tpu.enqueue_indirect_dma source(%dma_start3A_33 : memref<100001x128xf32, #tpu.memory_space<hbm>>) target(%dma_start3A_28 : memref<128x128xf32, #tpu.memory_space<vmem>>) offsets(%dma_start3A_30 : memref<128xi32, #tpu.memory_space<vmem>>) semaphore(%arg8 : memref<!tpu.dma_semaphore, #tpu.memory_space<semaphore_mem>>)
    %dma_wait3A = arith.constant 0 : i32
    %dma_wait3A_34 = arith.constant 0 : i32
    %dma_wait3A_35 = tpu.memref_slice %arg6[%dma_wait3A, %dma_wait3A_34] : memref<512x128xf32, #tpu.memory_space<vmem>> -> memref<128x128xf32, #tpu.memory_space<vmem>>
    %dma_wait3A_36 = arith.constant 0 : i32
    %dma_wait3A_37 = tpu.memref_slice %arg5[%dma_wait3A_36] : memref<512xi32, #tpu.memory_space<vmem>> -> memref<128xi32, #tpu.memory_space<vmem>>
    %dma_wait3A_38 = arith.constant 0 : i32
    %dma_wait3A_39 = arith.constant 0 : i32
    %dma_wait3A_40 = tpu.memref_slice %arg2[%dma_wait3A_38, %dma_wait3A_39] : memref<100001x128xf32, #tpu.memory_space<hbm>> -> memref<100001x128xf32, #tpu.memory_space<hbm>>
    tpu.wait_indirect_dma semaphore(%arg7 : memref<!tpu.dma_semaphore, #tpu.memory_space<semaphore_mem>>) src(%dma_wait3A_40 : memref<100001x128xf32, #tpu.memory_space<hbm>>) dst(%dma_wait3A_35 : memref<128x128xf32, #tpu.memory_space<vmem>>)
    %add3A_41 = arith.constant 0 : i32
    %add3A_42 = arith.addi %mul3A_2, %add3A_41 : i32
    %dma_start3A_43 = arith.constant 0 : i32
    %dma_start3A_44 = arith.constant 0 : i32
    %dma_start3A_45 = tpu.memref_slice %arg6[%dma_start3A_43, %dma_start3A_44] : memref<512x128xf32, #tpu.memory_space<vmem>> -> memref<128x128xf32, #tpu.memory_space<vmem>>
    %dma_start3A_46 = arith.constant 0 : i32
    %dma_start3A_47 = tpu.memref_slice %arg4[%add3A_42, %dma_start3A_46] : memref<16384x128xf32, #tpu.memory_space<hbm>> -> memref<128x128xf32, #tpu.memory_space<hbm>>
    %dma_start3A_48 = arith.constant 0 : i32
    %dma_start3A_49 = tpu.memref_slice %arg4[%add3A_42, %dma_start3A_48] : memref<16384x128xf32, #tpu.memory_space<hbm>> -> memref<128x128xf32, #tpu.memory_space<hbm>>
    %dma_start3A_50 = arith.constant 0 : i32
    %dma_start3A_51 = arith.constant 0 : i32
    %dma_start3A_52 = tpu.memref_slice %arg6[%dma_start3A_50, %dma_start3A_51] : memref<512x128xf32, #tpu.memory_space<vmem>> -> memref<128x128xf32, #tpu.memory_space<vmem>>
    tpu.enqueue_dma source(%dma_start3A_52 : memref<128x128xf32, #tpu.memory_space<vmem>>) target(%dma_start3A_49 : memref<128x128xf32, #tpu.memory_space<hbm>>) target_semaphore(%arg9 : memref<!tpu.dma_semaphore, #tpu.memory_space<semaphore_mem>>)
    %dma_wait3A_53 = arith.constant 128 : i32
    %dma_wait3A_54 = arith.constant 0 : i32
    %dma_wait3A_55 = tpu.memref_slice %arg6[%dma_wait3A_53, %dma_wait3A_54] : memref<512x128xf32, #tpu.memory_space<vmem>> -> memref<128x128xf32, #tpu.memory_space<vmem>>
    %dma_wait3A_56 = arith.constant 128 : i32
    %dma_wait3A_57 = tpu.memref_slice %arg5[%dma_wait3A_56] : memref<512xi32, #tpu.memory_space<vmem>> -> memref<128xi32, #tpu.memory_space<vmem>>
    %dma_wait3A_58 = arith.constant 0 : i32
    %dma_wait3A_59 = arith.constant 0 : i32
    %dma_wait3A_60 = tpu.memref_slice %arg2[%dma_wait3A_58, %dma_wait3A_59] : memref<100001x128xf32, #tpu.memory_space<hbm>> -> memref<100001x128xf32, #tpu.memory_space<hbm>>
    tpu.wait_indirect_dma semaphore(%arg8 : memref<!tpu.dma_semaphore, #tpu.memory_space<semaphore_mem>>) src(%dma_wait3A_60 : memref<100001x128xf32, #tpu.memory_space<hbm>>) dst(%dma_wait3A_55 : memref<128x128xf32, #tpu.memory_space<vmem>>)
    %add3A_61 = arith.constant 128 : i32
    %add3A_62 = arith.addi %mul3A_2, %add3A_61 : i32
    %dma_start3A_63 = arith.constant 128 : i32
    %dma_start3A_64 = arith.constant 0 : i32
    %dma_start3A_65 = tpu.memref_slice %arg6[%dma_start3A_63, %dma_start3A_64] : memref<512x128xf32, #tpu.memory_space<vmem>> -> memref<128x128xf32, #tpu.memory_space<vmem>>
    %dma_start3A_66 = arith.constant 0 : i32
    %dma_start3A_67 = tpu.memref_slice %arg4[%add3A_62, %dma_start3A_66] : memref<16384x128xf32, #tpu.memory_space<hbm>> -> memref<128x128xf32, #tpu.memory_space<hbm>>
    %dma_start3A_68 = arith.constant 0 : i32
    %dma_start3A_69 = tpu.memref_slice %arg4[%add3A_62, %dma_start3A_68] : memref<16384x128xf32, #tpu.memory_space<hbm>> -> memref<128x128xf32, #tpu.memory_space<hbm>>
    %dma_start3A_70 = arith.constant 128 : i32
    %dma_start3A_71 = arith.constant 0 : i32
    %dma_start3A_72 = tpu.memref_slice %arg6[%dma_start3A_70, %dma_start3A_71] : memref<512x128xf32, #tpu.memory_space<vmem>> -> memref<128x128xf32, #tpu.memory_space<vmem>>
    tpu.enqueue_dma source(%dma_start3A_72 : memref<128x128xf32, #tpu.memory_space<vmem>>) target(%dma_start3A_69 : memref<128x128xf32, #tpu.memory_space<hbm>>) target_semaphore(%arg9 : memref<!tpu.dma_semaphore, #tpu.memory_space<semaphore_mem>>)
    %dma_wait3A_73 = arith.constant 256 : i32
    %dma_wait3A_74 = arith.constant 0 : i32
    %dma_wait3A_75 = tpu.memref_slice %arg6[%dma_wait3A_73, %dma_wait3A_74] : memref<512x128xf32, #tpu.memory_space<vmem>> -> memref<128x128xf32, #tpu.memory_space<vmem>>
    %dma_wait3A_76 = arith.constant 256 : i32
    %dma_wait3A_77 = tpu.memref_slice %arg5[%dma_wait3A_76] : memref<512xi32, #tpu.memory_space<vmem>> -> memref<128xi32, #tpu.memory_space<vmem>>
    %dma_wait3A_78 = arith.constant 0 : i32
    %dma_wait3A_79 = arith.constant 0 : i32
    %dma_wait3A_80 = tpu.memref_slice %arg2[%dma_wait3A_78, %dma_wait3A_79] : memref<100001x128xf32, #tpu.memory_space<hbm>> -> memref<100001x128xf32, #tpu.memory_space<hbm>>
    tpu.wait_indirect_dma semaphore(%arg7 : memref<!tpu.dma_semaphore, #tpu.memory_space<semaphore_mem>>) src(%dma_wait3A_80 : memref<100001x128xf32, #tpu.memory_space<hbm>>) dst(%dma_wait3A_75 : memref<128x128xf32, #tpu.memory_space<vmem>>)
    %add3A_81 = arith.constant 256 : i32
    %add3A_82 = arith.addi %mul3A_2, %add3A_81 : i32
    %dma_start3A_83 = arith.constant 256 : i32
    %dma_start3A_84 = arith.constant 0 : i32
    %dma_start3A_85 = tpu.memref_slice %arg6[%dma_start3A_83, %dma_start3A_84] : memref<512x128xf32, #tpu.memory_space<vmem>> -> memref<128x128xf32, #tpu.memory_space<vmem>>
    %dma_start3A_86 = arith.constant 0 : i32
    %dma_start3A_87 = tpu.memref_slice %arg4[%add3A_82, %dma_start3A_86] : memref<16384x128xf32, #tpu.memory_space<hbm>> -> memref<128x128xf32, #tpu.memory_space<hbm>>
    %dma_start3A_88 = arith.constant 0 : i32
    %dma_start3A_89 = tpu.memref_slice %arg4[%add3A_82, %dma_start3A_88] : memref<16384x128xf32, #tpu.memory_space<hbm>> -> memref<128x128xf32, #tpu.memory_space<hbm>>
    %dma_start3A_90 = arith.constant 256 : i32
    %dma_start3A_91 = arith.constant 0 : i32
    %dma_start3A_92 = tpu.memref_slice %arg6[%dma_start3A_90, %dma_start3A_91] : memref<512x128xf32, #tpu.memory_space<vmem>> -> memref<128x128xf32, #tpu.memory_space<vmem>>
    tpu.enqueue_dma source(%dma_start3A_92 : memref<128x128xf32, #tpu.memory_space<vmem>>) target(%dma_start3A_89 : memref<128x128xf32, #tpu.memory_space<hbm>>) target_semaphore(%arg9 : memref<!tpu.dma_semaphore, #tpu.memory_space<semaphore_mem>>)
    %dma_wait3A_93 = arith.constant 384 : i32
    %dma_wait3A_94 = arith.constant 0 : i32
    %dma_wait3A_95 = tpu.memref_slice %arg6[%dma_wait3A_93, %dma_wait3A_94] : memref<512x128xf32, #tpu.memory_space<vmem>> -> memref<128x128xf32, #tpu.memory_space<vmem>>
    %dma_wait3A_96 = arith.constant 384 : i32
    %dma_wait3A_97 = tpu.memref_slice %arg5[%dma_wait3A_96] : memref<512xi32, #tpu.memory_space<vmem>> -> memref<128xi32, #tpu.memory_space<vmem>>
    %dma_wait3A_98 = arith.constant 0 : i32
    %dma_wait3A_99 = arith.constant 0 : i32
    %dma_wait3A_100 = tpu.memref_slice %arg2[%dma_wait3A_98, %dma_wait3A_99] : memref<100001x128xf32, #tpu.memory_space<hbm>> -> memref<100001x128xf32, #tpu.memory_space<hbm>>
    tpu.wait_indirect_dma semaphore(%arg8 : memref<!tpu.dma_semaphore, #tpu.memory_space<semaphore_mem>>) src(%dma_wait3A_100 : memref<100001x128xf32, #tpu.memory_space<hbm>>) dst(%dma_wait3A_95 : memref<128x128xf32, #tpu.memory_space<vmem>>)
    %add3A_101 = arith.constant 384 : i32
    %add3A_102 = arith.addi %mul3A_2, %add3A_101 : i32
    %dma_start3A_103 = arith.constant 384 : i32
    %dma_start3A_104 = arith.constant 0 : i32
    %dma_start3A_105 = tpu.memref_slice %arg6[%dma_start3A_103, %dma_start3A_104] : memref<512x128xf32, #tpu.memory_space<vmem>> -> memref<128x128xf32, #tpu.memory_space<vmem>>
    %dma_start3A_106 = arith.constant 0 : i32
    %dma_start3A_107 = tpu.memref_slice %arg4[%add3A_102, %dma_start3A_106] : memref<16384x128xf32, #tpu.memory_space<hbm>> -> memref<128x128xf32, #tpu.memory_space<hbm>>
    %dma_start3A_108 = arith.constant 0 : i32
    %dma_start3A_109 = tpu.memref_slice %arg4[%add3A_102, %dma_start3A_108] : memref<16384x128xf32, #tpu.memory_space<hbm>> -> memref<128x128xf32, #tpu.memory_space<hbm>>
    %dma_start3A_110 = arith.constant 384 : i32
    %dma_start3A_111 = arith.constant 0 : i32
    %dma_start3A_112 = tpu.memref_slice %arg6[%dma_start3A_110, %dma_start3A_111] : memref<512x128xf32, #tpu.memory_space<vmem>> -> memref<128x128xf32, #tpu.memory_space<vmem>>
    tpu.enqueue_dma source(%dma_start3A_112 : memref<128x128xf32, #tpu.memory_space<vmem>>) target(%dma_start3A_109 : memref<128x128xf32, #tpu.memory_space<hbm>>) target_semaphore(%arg9 : memref<!tpu.dma_semaphore, #tpu.memory_space<semaphore_mem>>)
    %dma_wait3A_113 = arith.constant 0 : i32
    %dma_wait3A_114 = arith.constant 0 : i32
    %dma_wait3A_115 = tpu.memref_slice %arg6[%dma_wait3A_113, %dma_wait3A_114] : memref<512x128xf32, #tpu.memory_space<vmem>> -> memref<128x128xf32, #tpu.memory_space<vmem>>
    %dma_wait3A_116 = arith.constant 0 : i32
    %dma_wait3A_117 = tpu.memref_slice %arg4[%add3A_42, %dma_wait3A_116] : memref<16384x128xf32, #tpu.memory_space<hbm>> -> memref<128x128xf32, #tpu.memory_space<hbm>>
    %dma_wait3A_118 = arith.constant 0 : i32
    %dma_wait3A_119 = tpu.memref_slice %arg4[%add3A_42, %dma_wait3A_118] : memref<16384x128xf32, #tpu.memory_space<hbm>> -> memref<128x128xf32, #tpu.memory_space<hbm>>
    %dma_wait3A_120 = arith.constant 0 : i32
    %dma_wait3A_121 = arith.constant 0 : i32
    %dma_wait3A_122 = tpu.memref_slice %arg6[%dma_wait3A_120, %dma_wait3A_121] : memref<512x128xf32, #tpu.memory_space<vmem>> -> memref<128x128xf32, #tpu.memory_space<vmem>>
    tpu.wait_dma2 semaphore(%arg9 : memref<!tpu.dma_semaphore, #tpu.memory_space<semaphore_mem>>) src(%dma_wait3A_122 : memref<128x128xf32, #tpu.memory_space<vmem>>) dst(%dma_wait3A_119 : memref<128x128xf32, #tpu.memory_space<hbm>>)
    %dma_wait3A_123 = arith.constant 128 : i32
    %dma_wait3A_124 = arith.constant 0 : i32
    %dma_wait3A_125 = tpu.memref_slice %arg6[%dma_wait3A_123, %dma_wait3A_124] : memref<512x128xf32, #tpu.memory_space<vmem>> -> memref<128x128xf32, #tpu.memory_space<vmem>>
    %dma_wait3A_126 = arith.constant 0 : i32
    %dma_wait3A_127 = tpu.memref_slice %arg4[%add3A_62, %dma_wait3A_126] : memref<16384x128xf32, #tpu.memory_space<hbm>> -> memref<128x128xf32, #tpu.memory_space<hbm>>
    %dma_wait3A_128 = arith.constant 0 : i32
    %dma_wait3A_129 = tpu.memref_slice %arg4[%add3A_62, %dma_wait3A_128] : memref<16384x128xf32, #tpu.memory_space<hbm>> -> memref<128x128xf32, #tpu.memory_space<hbm>>
    %dma_wait3A_130 = arith.constant 128 : i32
    %dma_wait3A_131 = arith.constant 0 : i32
    %dma_wait3A_132 = tpu.memref_slice %arg6[%dma_wait3A_130, %dma_wait3A_131] : memref<512x128xf32, #tpu.memory_space<vmem>> -> memref<128x128xf32, #tpu.memory_space<vmem>>
    tpu.wait_dma2 semaphore(%arg9 : memref<!tpu.dma_semaphore, #tpu.memory_space<semaphore_mem>>) src(%dma_wait3A_132 : memref<128x128xf32, #tpu.memory_space<vmem>>) dst(%dma_wait3A_129 : memref<128x128xf32, #tpu.memory_space<hbm>>)
    %dma_wait3A_133 = arith.constant 256 : i32
    %dma_wait3A_134 = arith.constant 0 : i32
    %dma_wait3A_135 = tpu.memref_slice %arg6[%dma_wait3A_133, %dma_wait3A_134] : memref<512x128xf32, #tpu.memory_space<vmem>> -> memref<128x128xf32, #tpu.memory_space<vmem>>
    %dma_wait3A_136 = arith.constant 0 : i32
    %dma_wait3A_137 = tpu.memref_slice %arg4[%add3A_82, %dma_wait3A_136] : memref<16384x128xf32, #tpu.memory_space<hbm>> -> memref<128x128xf32, #tpu.memory_space<hbm>>
    %dma_wait3A_138 = arith.constant 0 : i32
    %dma_wait3A_139 = tpu.memref_slice %arg4[%add3A_82, %dma_wait3A_138] : memref<16384x128xf32, #tpu.memory_space<hbm>> -> memref<128x128xf32, #tpu.memory_space<hbm>>
    %dma_wait3A_140 = arith.constant 256 : i32
    %dma_wait3A_141 = arith.constant 0 : i32
    %dma_wait3A_142 = tpu.memref_slice %arg6[%dma_wait3A_140, %dma_wait3A_141] : memref<512x128xf32, #tpu.memory_space<vmem>> -> memref<128x128xf32, #tpu.memory_space<vmem>>
    tpu.wait_dma2 semaphore(%arg9 : memref<!tpu.dma_semaphore, #tpu.memory_space<semaphore_mem>>) src(%dma_wait3A_142 : memref<128x128xf32, #tpu.memory_space<vmem>>) dst(%dma_wait3A_139 : memref<128x128xf32, #tpu.memory_space<hbm>>)
    %dma_wait3A_143 = arith.constant 384 : i32
    %dma_wait3A_144 = arith.constant 0 : i32
    %dma_wait3A_145 = tpu.memref_slice %arg6[%dma_wait3A_143, %dma_wait3A_144] : memref<512x128xf32, #tpu.memory_space<vmem>> -> memref<128x128xf32, #tpu.memory_space<vmem>>
    %dma_wait3A_146 = arith.constant 0 : i32
    %dma_wait3A_147 = tpu.memref_slice %arg4[%add3A_102, %dma_wait3A_146] : memref<16384x128xf32, #tpu.memory_space<hbm>> -> memref<128x128xf32, #tpu.memory_space<hbm>>
    %dma_wait3A_148 = arith.constant 0 : i32
    %dma_wait3A_149 = tpu.memref_slice %arg4[%add3A_102, %dma_wait3A_148] : memref<16384x128xf32, #tpu.memory_space<hbm>> -> memref<128x128xf32, #tpu.memory_space<hbm>>
    %dma_wait3A_150 = arith.constant 384 : i32
    %dma_wait3A_151 = arith.constant 0 : i32
    %dma_wait3A_152 = tpu.memref_slice %arg6[%dma_wait3A_150, %dma_wait3A_151] : memref<512x128xf32, #tpu.memory_space<vmem>> -> memref<128x128xf32, #tpu.memory_space<vmem>>
    tpu.wait_dma2 semaphore(%arg9 : memref<!tpu.dma_semaphore, #tpu.memory_space<semaphore_mem>>) src(%dma_wait3A_152 : memref<128x128xf32, #tpu.memory_space<vmem>>) dst(%dma_wait3A_149 : memref<128x128xf32, #tpu.memory_space<hbm>>)
    return
  }
}

module attributes {stable_mosaic.version = 14 : i64} {
  func.func @_mlp_body(%arg0: i32, %arg1: memref<4096x4xi32, #tpu.memory_space<vmem>>, %arg2: memref<4096x128xf32, #tpu.memory_space<vmem>>, %arg3: memref<16x32xf32, #tpu.memory_space<vmem>>, %arg4: memref<24x32xf32, #tpu.memory_space<vmem>>, %arg5: memref<208x32xf32, #tpu.memory_space<vmem>>, %arg6: memref<16x32xf32, #tpu.memory_space<vmem>>, %arg7: memref<256x64xf32, #tpu.memory_space<vmem>>, %arg8: memref<1x64xf32, #tpu.memory_space<vmem>>, %arg9: memref<64x32xf32, #tpu.memory_space<vmem>>, %arg10: memref<32x1xf32, #tpu.memory_space<vmem>>, %arg11: memref<32x4096xf32, #tpu.memory_space<vmem>>, %arg12: memref<264x64xf32, #tpu.memory_space<vmem>>) attributes {dimension_semantics = [#tpu.dimension_semantics<arbitrary>], iteration_bounds = array<i64: 4>, scalar_prefetch = 0 : i64, scratch_operands = 1 : i64, tpu.core_type = #tpu.core_type<tc>, window_params = [{transform_indices = @transform_0, window_bounds = array<i64: 4096, 4>}, {transform_indices = @transform_1, window_bounds = array<i64: 4096, 128>}, {pipeline_mode = #tpu.pipeline_mode<synchronous>, transform_indices = @transform_2, window_bounds = array<i64: 16, 32>}, {pipeline_mode = #tpu.pipeline_mode<synchronous>, transform_indices = @transform_3, window_bounds = array<i64: 24, 32>}, {pipeline_mode = #tpu.pipeline_mode<synchronous>, transform_indices = @transform_4, window_bounds = array<i64: 208, 32>}, {pipeline_mode = #tpu.pipeline_mode<synchronous>, transform_indices = @transform_5, window_bounds = array<i64: 16, 32>}, {pipeline_mode = #tpu.pipeline_mode<synchronous>, transform_indices = @transform_6, window_bounds = array<i64: 256, 64>}, {pipeline_mode = #tpu.pipeline_mode<synchronous>, transform_indices = @transform_7, window_bounds = array<i64: 1, 64>}, {pipeline_mode = #tpu.pipeline_mode<synchronous>, transform_indices = @transform_8, window_bounds = array<i64: 64, 32>}, {pipeline_mode = #tpu.pipeline_mode<synchronous>, transform_indices = @transform_9, window_bounds = array<i64: 32, 1>}, {transform_indices = @transform_10, window_bounds = array<i64: 32, 4096>}]} {
    %eq3A = arith.constant 0 : i32
    %eq3A_0 = arith.cmpi eq, %arg0, %eq3A : i32
    %convert_element_type3A = arith.extui %eq3A_0 : i1 to i32
    %cond3A = arith.constant 0 : i32
    %cond3A_1 = arith.cmpi ne, %convert_element_type3A, %cond3A : i32
    scf.if %cond3A_1 {
      %get3A_59 = arith.constant 0 : index
      %get3A_60 = arith.constant 0 : index
      %get3A_61 = vector.load %arg3[%get3A_59, %get3A_60] : memref<16x32xf32, #tpu.memory_space<vmem>>, vector<16x32xf32>
      %get3A_62 = arith.constant 0 : index
      %get3A_63 = arith.constant 0 : index
      %get3A_64 = vector.load %arg7[%get3A_62, %get3A_63] : memref<256x64xf32, #tpu.memory_space<vmem>>, vector<32x64xf32>
      %dot_general3A_65 = arith.constant dense<0.000000e+00> : vector<16x64xf32>
      %dot_general3A_66 = tpu.matmul %get3A_61, %get3A_64, %dot_general3A_65 {dimension_numbers = #tpu.dot_dimension_numbers<[1], [0], [0], [1], [0, 0, 1, 1], [], []>, transpose_lhs_hint = false} : vector<16x32xf32>, vector<32x64xf32>, vector<16x64xf32> -> vector<16x64xf32>
      %mul3A = arith.constant 2.000000e+00 : f32
      %mul3A_67 = vector.broadcast %mul3A : f32 to vector<16x64xf32>
      %mul3A_68 = arith.mulf %dot_general3A_66, %mul3A_67 : vector<16x64xf32>
      %get3A_69 = arith.constant 0 : index
      %get3A_70 = arith.constant 0 : index
      %get3A_71 = vector.load %arg8[%get3A_69, %get3A_70] : memref<1x64xf32, #tpu.memory_space<vmem>>, vector<1x64xf32>
      %add3A_72 = vector.broadcast %get3A_71 : vector<1x64xf32> to vector<16x64xf32>
      %add3A_73 = arith.addf %mul3A_68, %add3A_72 : vector<16x64xf32>
      %swap3A_74 = arith.constant 0 : index
      %swap3A_75 = arith.constant 0 : index
      %swap3A_76 = vector.load %arg12[%swap3A_74, %swap3A_75] : memref<264x64xf32, #tpu.memory_space<vmem>>, vector<16x64xf32>
      tpu.vector_store %arg12[%swap3A_74, %swap3A_75], %add3A_73 {strides = array<i32>} : memref<264x64xf32, #tpu.memory_space<vmem>>, vector<16x64xf32>,
      %get3A_77 = arith.constant 0 : index
      %get3A_78 = arith.constant 0 : index
      %get3A_79 = vector.load %arg4[%get3A_77, %get3A_78] : memref<24x32xf32, #tpu.memory_space<vmem>>, vector<24x32xf32>
      %get3A_80 = arith.constant 32 : index
      %get3A_81 = arith.constant 0 : index
      %get3A_82 = vector.load %arg7[%get3A_80, %get3A_81] : memref<256x64xf32, #tpu.memory_space<vmem>>, vector<32x64xf32>
      %dot_general3A_83 = arith.constant dense<0.000000e+00> : vector<24x64xf32>
      %dot_general3A_84 = tpu.matmul %get3A_79, %get3A_82, %dot_general3A_83 {dimension_numbers = #tpu.dot_dimension_numbers<[1], [0], [0], [1], [0, 0, 1, 1], [], []>, transpose_lhs_hint = false} : vector<24x32xf32>, vector<32x64xf32>, vector<24x64xf32> -> vector<24x64xf32>
      %swap3A_85 = arith.constant 16 : index
      %swap3A_86 = arith.constant 0 : index
      %swap3A_87 = vector.load %arg12[%swap3A_85, %swap3A_86] : memref<264x64xf32, #tpu.memory_space<vmem>>, vector<24x64xf32>
      tpu.vector_store %arg12[%swap3A_85, %swap3A_86], %dot_general3A_84 {strides = array<i32>} : memref<264x64xf32, #tpu.memory_space<vmem>>, vector<24x64xf32>,
      %get3A_88 = arith.constant 0 : index
      %get3A_89 = arith.constant 0 : index
      %get3A_90 = vector.load %arg5[%get3A_88, %get3A_89] : memref<208x32xf32, #tpu.memory_space<vmem>>, vector<208x32xf32>
      %get3A_91 = arith.constant 64 : index
      %get3A_92 = arith.constant 0 : index
      %get3A_93 = vector.load %arg7[%get3A_91, %get3A_92] : memref<256x64xf32, #tpu.memory_space<vmem>>, vector<32x64xf32>
      %dot_general3A_94 = arith.constant dense<0.000000e+00> : vector<208x64xf32>
      %dot_general3A_95 = tpu.matmul %get3A_90, %get3A_93, %dot_general3A_94 {dimension_numbers = #tpu.dot_dimension_numbers<[1], [0], [0], [1], [0, 0, 1, 1], [], []>, transpose_lhs_hint = false} : vector<208x32xf32>, vector<32x64xf32>, vector<208x64xf32> -> vector<208x64xf32>
      %swap3A_96 = arith.constant 40 : index
      %swap3A_97 = arith.constant 0 : index
      %swap3A_98 = vector.load %arg12[%swap3A_96, %swap3A_97] : memref<264x64xf32, #tpu.memory_space<vmem>>, vector<208x64xf32>
      tpu.vector_store %arg12[%swap3A_96, %swap3A_97], %dot_general3A_95 {strides = array<i32>} : memref<264x64xf32, #tpu.memory_space<vmem>>, vector<208x64xf32>,
      %get3A_99 = arith.constant 0 : index
      %get3A_100 = arith.constant 0 : index
      %get3A_101 = vector.load %arg6[%get3A_99, %get3A_100] : memref<16x32xf32, #tpu.memory_space<vmem>>, vector<16x32xf32>
      %get3A_102 = arith.constant 96 : index
      %get3A_103 = arith.constant 0 : index
      %get3A_104 = vector.load %arg7[%get3A_102, %get3A_103] : memref<256x64xf32, #tpu.memory_space<vmem>>, vector<32x64xf32>
      %dot_general3A_105 = arith.constant dense<0.000000e+00> : vector<16x64xf32>
      %dot_general3A_106 = tpu.matmul %get3A_101, %get3A_104, %dot_general3A_105 {dimension_numbers = #tpu.dot_dimension_numbers<[1], [0], [0], [1], [0, 0, 1, 1], [], []>, transpose_lhs_hint = false} : vector<16x32xf32>, vector<32x64xf32>, vector<16x64xf32> -> vector<16x64xf32>
      %swap3A_107 = arith.constant 248 : index
      %swap3A_108 = arith.constant 0 : index
      %swap3A_109 = vector.load %arg12[%swap3A_107, %swap3A_108] : memref<264x64xf32, #tpu.memory_space<vmem>>, vector<16x64xf32>
      tpu.vector_store %arg12[%swap3A_107, %swap3A_108], %dot_general3A_106 {strides = array<i32>} : memref<264x64xf32, #tpu.memory_space<vmem>>, vector<16x64xf32>,
    } else {
    }
    %iota3A = tpu.iota {dimensions = array<i32: 1>} : vector<4096x264xi32>
    %lt3A = arith.constant 16 : i32
    %lt3A_2 = vector.broadcast %lt3A : i32 to vector<4096x264xi32>
    %lt3A_3 = arith.cmpi slt, %iota3A, %lt3A_2 : vector<4096x264xi32>
    %get3A = arith.constant 0 : index
    %get3A_4 = arith.constant 0 : index
    %get3A_5 = vector.load %arg1[%get3A, %get3A_4] : memref<4096x4xi32, #tpu.memory_space<vmem>>, vector<4096x1xi32>
    %lt3A_6 = arith.constant 40 : i32
    %lt3A_7 = vector.broadcast %lt3A_6 : i32 to vector<4096x264xi32>
    %lt3A_8 = arith.cmpi slt, %iota3A, %lt3A_7 : vector<4096x264xi32>
    %get3A_9 = arith.constant 0 : index
    %get3A_10 = arith.constant 1 : index
    %get3A_11 = vector.load %arg1[%get3A_9, %get3A_10] : memref<4096x4xi32, #tpu.memory_space<vmem>>, vector<4096x1xi32>
    %lt3A_12 = arith.constant 248 : i32
    %lt3A_13 = vector.broadcast %lt3A_12 : i32 to vector<4096x264xi32>
    %lt3A_14 = arith.cmpi slt, %iota3A, %lt3A_13 : vector<4096x264xi32>
    %get3A_15 = arith.constant 0 : index
    %get3A_16 = arith.constant 2 : index
    %get3A_17 = vector.load %arg1[%get3A_15, %get3A_16] : memref<4096x4xi32, #tpu.memory_space<vmem>>, vector<4096x1xi32>
    %get3A_18 = arith.constant 0 : index
    %get3A_19 = arith.constant 3 : index
    %get3A_20 = vector.load %arg1[%get3A_18, %get3A_19] : memref<4096x4xi32, #tpu.memory_space<vmem>>, vector<4096x1xi32>
    %broadcast_in_dim3A = vector.shape_cast %get3A_17 : vector<4096x1xi32> to vector<4096x1xi32>
    %broadcast_in_dim3A_21 = vector.broadcast %broadcast_in_dim3A : vector<4096x1xi32> to vector<4096x264xi32>
    %broadcast_in_dim3A_22 = vector.shape_cast %get3A_20 : vector<4096x1xi32> to vector<4096x1xi32>
    %broadcast_in_dim3A_23 = vector.broadcast %broadcast_in_dim3A_22 : vector<4096x1xi32> to vector<4096x264xi32>
    %select_n3A = arith.select %lt3A_14, %broadcast_in_dim3A_21, %broadcast_in_dim3A_23 : vector<4096x264xi1>, vector<4096x264xi32>
    %broadcast_in_dim3A_24 = vector.shape_cast %get3A_11 : vector<4096x1xi32> to vector<4096x1xi32>
    %broadcast_in_dim3A_25 = vector.broadcast %broadcast_in_dim3A_24 : vector<4096x1xi32> to vector<4096x264xi32>
    %select_n3A_26 = arith.select %lt3A_8, %broadcast_in_dim3A_25, %select_n3A : vector<4096x264xi1>, vector<4096x264xi32>
    %broadcast_in_dim3A_27 = vector.shape_cast %get3A_5 : vector<4096x1xi32> to vector<4096x1xi32>
    %broadcast_in_dim3A_28 = vector.broadcast %broadcast_in_dim3A_27 : vector<4096x1xi32> to vector<4096x264xi32>
    %select_n3A_29 = arith.select %lt3A_3, %broadcast_in_dim3A_28, %select_n3A_26 : vector<4096x264xi1>, vector<4096x264xi32>
    %eq3A_30 = arith.cmpi eq, %iota3A, %select_n3A_29 : vector<4096x264xi32>
    %convert_element_type3A_31 = arith.extui %eq3A_30 : vector<4096x264xi1> to vector<4096x264xi32>
    %convert_element_type3A_32 = arith.sitofp %convert_element_type3A_31 : vector<4096x264xi32> to vector<4096x264xf32>
    %get3A_33 = arith.constant 0 : index
    %get3A_34 = arith.constant 0 : index
    %get3A_35 = vector.load %arg12[%get3A_33, %get3A_34] : memref<264x64xf32, #tpu.memory_space<vmem>>, vector<264x64xf32>
    %dot_general3A = arith.constant dense<0.000000e+00> : vector<64x4096xf32>
    %dot_general3A_36 = tpu.matmul %get3A_35, %convert_element_type3A_32, %dot_general3A {dimension_numbers = #tpu.dot_dimension_numbers<[0], [1], [1], [0], [0, 1, 1, 0], [], []>, transpose_lhs_hint = false} : vector<264x64xf32>, vector<4096x264xf32>, vector<64x4096xf32> -> vector<64x4096xf32>
    %get3A_37 = arith.constant 128 : index
    %get3A_38 = arith.constant 0 : index
    %get3A_39 = vector.load %arg7[%get3A_37, %get3A_38] : memref<256x64xf32, #tpu.memory_space<vmem>>, vector<128x64xf32>
    %get3A_40 = arith.constant 0 : index
    %get3A_41 = arith.constant 0 : index
    %get3A_42 = vector.load %arg2[%get3A_40, %get3A_41] : memref<4096x128xf32, #tpu.memory_space<vmem>>, vector<4096x128xf32>
    %dot_general3A_43 = arith.constant dense<0.000000e+00> : vector<64x4096xf32>
    %dot_general3A_44 = tpu.matmul %get3A_39, %get3A_42, %dot_general3A_43 {dimension_numbers = #tpu.dot_dimension_numbers<[0], [1], [1], [0], [0, 1, 1, 0], [], []>, transpose_lhs_hint = false} : vector<128x64xf32>, vector<4096x128xf32>, vector<64x4096xf32> -> vector<64x4096xf32>
    %add3A = arith.addf %dot_general3A_36, %dot_general3A_44 : vector<64x4096xf32>
    %max3A = arith.constant 0.000000e+00 : f32
    %max3A_45 = vector.broadcast %max3A : f32 to vector<64x4096xf32>
    %max3A_46 = arith.maximumf %add3A, %max3A_45 : vector<64x4096xf32>
    %get3A_47 = arith.constant 0 : index
    %get3A_48 = arith.constant 0 : index
    %get3A_49 = vector.load %arg9[%get3A_47, %get3A_48] : memref<64x32xf32, #tpu.memory_space<vmem>>, vector<64x32xf32>
    %dot_general3A_50 = arith.constant dense<0.000000e+00> : vector<32x4096xf32>
    %dot_general3A_51 = tpu.matmul %get3A_49, %max3A_46, %dot_general3A_50 {dimension_numbers = #tpu.dot_dimension_numbers<[0], [0], [1], [1], [0, 1, 1, 1], [], []>, transpose_lhs_hint = false} : vector<64x32xf32>, vector<64x4096xf32>, vector<32x4096xf32> -> vector<32x4096xf32>
    %get3A_52 = arith.constant 0 : index
    %get3A_53 = arith.constant 0 : index
    %get3A_54 = vector.load %arg10[%get3A_52, %get3A_53] : memref<32x1xf32, #tpu.memory_space<vmem>>, vector<32x1xf32>
    %add3A_55 = vector.broadcast %get3A_54 : vector<32x1xf32> to vector<32x4096xf32>
    %add3A_56 = arith.addf %dot_general3A_51, %add3A_55 : vector<32x4096xf32>
    %swap3A = arith.constant 0 : index
    %swap3A_57 = arith.constant 0 : index
    %swap3A_58 = vector.load %arg11[%swap3A, %swap3A_57] : memref<32x4096xf32, #tpu.memory_space<vmem>>, vector<32x4096xf32>
    tpu.vector_store %arg11[%swap3A, %swap3A_57], %add3A_56 {strides = array<i32>} : memref<32x4096xf32, #tpu.memory_space<vmem>>, vector<32x4096xf32>,
    return
  }
  func.func @transform_0(%arg0: i32) -> (i32, i32) {
    %c0_i32 = arith.constant 0 : i32
    %c0_i32_0 = arith.constant 0 : i32
    return %arg0, %c0_i32 : i32, i32
  }
  func.func @transform_1(%arg0: i32) -> (i32, i32) {
    %c0_i32 = arith.constant 0 : i32
    %c0_i32_0 = arith.constant 0 : i32
    return %arg0, %c0_i32 : i32, i32
  }
  func.func @transform_2(%arg0: i32) -> (i32, i32) {
    %c0_i32 = arith.constant 0 : i32
    %c0_i32_0 = arith.constant 0 : i32
    %c0_i32_1 = arith.constant 0 : i32
    return %c0_i32, %c0_i32_0 : i32, i32
  }
  func.func @transform_3(%arg0: i32) -> (i32, i32) {
    %c0_i32 = arith.constant 0 : i32
    %c0_i32_0 = arith.constant 0 : i32
    %c0_i32_1 = arith.constant 0 : i32
    return %c0_i32, %c0_i32_0 : i32, i32
  }
  func.func @transform_4(%arg0: i32) -> (i32, i32) {
    %c0_i32 = arith.constant 0 : i32
    %c0_i32_0 = arith.constant 0 : i32
    %c0_i32_1 = arith.constant 0 : i32
    return %c0_i32, %c0_i32_0 : i32, i32
  }
  func.func @transform_5(%arg0: i32) -> (i32, i32) {
    %c0_i32 = arith.constant 0 : i32
    %c0_i32_0 = arith.constant 0 : i32
    %c0_i32_1 = arith.constant 0 : i32
    return %c0_i32, %c0_i32_0 : i32, i32
  }
  func.func @transform_6(%arg0: i32) -> (i32, i32) {
    %c0_i32 = arith.constant 0 : i32
    %c0_i32_0 = arith.constant 0 : i32
    %c0_i32_1 = arith.constant 0 : i32
    return %c0_i32, %c0_i32_0 : i32, i32
  }
  func.func @transform_7(%arg0: i32) -> (i32, i32) {
    %c0_i32 = arith.constant 0 : i32
    %c0_i32_0 = arith.constant 0 : i32
    %c0_i32_1 = arith.constant 0 : i32
    return %c0_i32, %c0_i32_0 : i32, i32
  }
  func.func @transform_8(%arg0: i32) -> (i32, i32) {
    %c0_i32 = arith.constant 0 : i32
    %c0_i32_0 = arith.constant 0 : i32
    %c0_i32_1 = arith.constant 0 : i32
    return %c0_i32, %c0_i32_0 : i32, i32
  }
  func.func @transform_9(%arg0: i32) -> (i32, i32) {
    %c0_i32 = arith.constant 0 : i32
    %c0_i32_0 = arith.constant 0 : i32
    %c0_i32_1 = arith.constant 0 : i32
    return %c0_i32, %c0_i32_0 : i32, i32
  }
  func.func @transform_10(%arg0: i32) -> (i32, i32) {
    %c0_i32 = arith.constant 0 : i32
    %c0_i32_0 = arith.constant 0 : i32
    return %c0_i32, %arg0 : i32, i32
  }
}

</mosaic_0001>

<sc_bundles>
// kernel: kernel.4.cloned.1.call-start
scs
__scs_entry_jumppad:
0x0: {  	(pc) =	sbr.rel $0x88, $3  }
0x1: {  	(tag) =	ssettag $0x0;
	lr =	simm.s32 $0x1  }
0x2: {  	[smem:$0x3F93] =	sst lr;
	_ =	strace $0xD0000000  }
0x3: {  	_ = 	snop  }
0x4: {  	_ = 	snop  }
0x5: {  	_ = 	snop  }
0x6: {  	_ = 	snop  }
0x7: {  	_ = 	snop  }
__scs_overlays_trampoline_lowered:
0x8: {  	[smem:$0x3FA2] =	sst s0  }
0x9: {  	[smem:$0x3FA3] =	sst s1  }
0xa: {  	[smem:$0x3FA4] =	sst s2  }
0xb: {  	[smem:$0x3FA5] =	sst s3  }
0xc: {  	[smem:$0x3FA6] =	sst s4  }
0xd: {  	[smem:$0x3FA7] =	sst s5  }
0xe: {  	[smem:$0x3FA8] =	sst s6  }
0xf: {  	[smem:$0x3FA9] =	sst s7  }
0x10: {  	[smem:$0x3FAA] =	sst s8  }
0x11: {  	[smem:$0x3FAB] =	sst s9;
	s0 =	simm.s32 @!p0 $0x0  }
0x12: {  	s1 =	sld [smem:$0x3F91];
	s0 =	simm.s32 @p0 $0x1  }
0x13: {  	[smem:$0x3FAC] =	sst s0;
	s0 =	simm.s32 @!p1 $0x0  }
0x14: {  	s2 =	sld [smem:$0x3F90];
	s0 =	simm.s32 @p1 $0x1  }
0x15: {  	[smem:$0x3FAD] =	sst s0;
	s0 =	simm.s32 @!p2 $0x0  }
0x16: {  	s3 =	sld [smem:$0x3FDB];
	s0 =	simm.s32 @p2 $0x1  }
0x17: {  	s4 =	simm.s32 $0x1BF5;
	[smem:$0x3FAF] =	sst s0  }
0x18: {  	s0 =	sld [smem:$0x3F92];
	_ =	swait.ge [sflag:s4], $0x0  }
0x19: {  	s7 =	sld [smem:$0x3F93]  }
0x1a: {  	s8 =	sadd.s32 $0xFFFFE003, lr  }
0x1b: {  	s9 =	sadd.s32 $0xFFFFFEF7, lr;
	s5 =	simm.s32 $0xFFFFFFFF;
	p2 =	slt.u32 s8, $0xFFFFF086  }
0x1c: {  	p1 =	slt.u32 s9, $0xF7A;
	s5 =	simm.s32 @!p2 $0x0  }
0x1d: {  	s5 =	simm.s32 @p1 $0x1;
	p0 =	seq.s32 s7, s2  }
0x1e: {  	s7 =	smul.u32 @!p0 $0xF7A, s2;
	p2 =	seq.s32 @!p0 s5, $0x0  }
0x1f: {  	s9 =	smul.u32 $0xF7A, s1;
	s8 =	simm.s32 @!p0 $0x1BF5;
	p2 =	por !p2, p0  }
0x20: {  	[sflag:s8] =	ssyncset.s32 @!p0 $0xFFFFF086;
	s6 =	sadd.s32 @!p0 s3, s7;
	s7 =	simm.s32 @!p0 $0x108  }
0x21: {  	s3 =	sadd.s32 s3, s9;
	s6 =	sadd.s32 @!p0 $0x88, s6;
	s7 =	simm.s32 @p2 $0x1082  }
0x22: {  	[simem:s7], [sflag:s8] =	dma.local @!p0 [hbm:s6], $0xF7A  }
0x23: {  	s9 =	sor.u32 $0xD0000000, s2;
	s6 =	simm.s32 $0x108;
	_ =	swait.ge @!p0 [sflag:s8], $0x0  }
0x24: {  	s3 =	sadd.s32 $0x88, s3;
	s6 =	simm.s32 @!p1 $0x1082;
	[sflag:s4] =	ssyncset.s32 $0xFFFFF086  }
0x25: {  	[simem:s6], [sflag:s4] =	dma.local [hbm:s3], $0xF7A  }
0x26: {  	[smem:$0x3F93] =	sst s1;
	(tag) =	ssettag s2;
	_ =	strace s9  }
0x27: {  	s1 =	sld [smem:$0x3FA3]  }
0x28: {  	s2 =	sld [smem:$0x3FA4]  }
0x29: {  	s4 =	sld [smem:$0x3FA6]  }
0x2a: {  	p0 =	seq.s32 s5, $0x0;
	s5 =	sld [smem:$0x3FA7]  }
0x2b: {  	s6 =	sld [smem:$0x3FA8]  }
0x2c: {  	s7 =	sld [smem:$0x3FA9]  }
0x2d: {  	s3 =	simm.s32 $0x108;
	s8 =	sld [smem:$0x3FAA]  }
0x2e: {  	s3 =	simm.s32 @!p0 $0x1082;
	s9 =	sld [smem:$0x3FAB]  }
0x2f: {  	lr =	sadd.s32 s0, s3;
	s0 =	sld [smem:$0x3FA2]  }
0x30: {  	s3 =	sld [smem:$0x3FA5]  }
0x31: {  	[smem:$0x3FAE] =	sst s10  }
0x32: {  	s10 =	sld [smem:$0x3FAC];
	_ =	sdelay $0x3  }
0x33: {  	p0 =	seq.s32 s10, $0x1;
	s10 =	sld [smem:$0x3FAE];
	_ =	sdelay $0x3  }
0x34: {  	[smem:$0x3FAE] =	sst s10  }
0x35: {  	s10 =	sld [smem:$0x3FAD];
	_ =	sdelay $0x3  }
0x36: {  	p1 =	seq.s32 s10, $0x1;
	s10 =	sld [smem:$0x3FAE];
	_ =	sdelay $0x3  }
0x37: {  	[smem:$0x3FAE] =	sst s10  }
0x38: {  	s10 =	sld [smem:$0x3FAF]  }
0x39: {  	_ = 	snop;
	(pc) =	sbr.ind lr, $3  }
0x3a: {  	_ = 	snop  }
0x3b: {  	_ = 	snop  }
0x3c: {  	p2 =	seq.s32 s10, $0x1;
	s10 =	sld [smem:$0x3FAE]  }
0x3d: {  	_ =	shalt  }
0x3e: {  	_ =	shalt  }
0x3f: {  	_ =	shalt  }
0x40: {  	_ =	shalt  }
0x41: {  	_ =	shalt  }
0x42: {  	_ =	shalt  }
0x43: {  	_ =	shalt  }
0x44: {  	_ =	shalt  }
0x45: {  	_ =	shalt  }
0x46: {  	_ =	shalt  }
0x47: {  	_ =	shalt  }
0x48: {  	_ =	shalt  }
0x49: {  	_ =	shalt  }
0x4a: {  	_ =	shalt  }
0x4b: {  	_ =	shalt  }
0x4c: {  	_ =	shalt  }
0x4d: {  	_ =	shalt  }
0x4e: {  	_ =	shalt  }
0x4f: {  	_ =	shalt  }
0x50: {  	_ =	shalt  }
0x51: {  	_ =	shalt  }
0x52: {  	_ =	shalt  }
0x53: {  	_ =	shalt  }
0x54: {  	_ =	shalt  }
0x55: {  	_ =	shalt  }
0x56: {  	_ =	shalt  }
0x57: {  	_ =	shalt  }
0x58: {  	_ =	shalt  }
0x59: {  	_ =	shalt  }
0x5a: {  	_ =	shalt  }
0x5b: {  	_ =	shalt  }
0x5c: {  	_ =	shalt  }
0x5d: {  	_ =	shalt  }
0x5e: {  	_ =	shalt  }
0x5f: {  	_ =	shalt  }
0x60: {  	_ =	shalt  }
0x61: {  	_ =	shalt  }
0x62: {  	_ =	shalt  }
0x63: {  	_ =	shalt  }
0x64: {  	_ =	shalt  }
0x65: {  	_ =	shalt  }
0x66: {  	_ =	shalt  }
0x67: {  	_ =	shalt  }
0x68: {  	_ =	shalt  }
0x69: {  	_ =	shalt  }
0x6a: {  	_ =	shalt  }
0x6b: {  	_ =	shalt  }
0x6c: {  	_ =	shalt  }
0x6d: {  	_ =	shalt  }
0x6e: {  	_ =	shalt  }
0x6f: {  	_ =	shalt  }
0x70: {  	_ =	shalt  }
0x71: {  	_ =	shalt  }
0x72: {  	_ =	shalt  }
0x73: {  	_ =	shalt  }
0x74: {  	_ =	shalt  }
0x75: {  	_ =	shalt  }
0x76: {  	_ =	shalt  }
0x77: {  	_ =	shalt  }
0x78: {  	_ =	shalt  }
0x79: {  	_ =	shalt  }
0x7a: {  	_ =	shalt  }
0x7b: {  	_ =	shalt  }
0x7c: {  	_ =	shalt  }
0x7d: {  	_ =	shalt  }
0x7e: {  	_ =	shalt  }
0x7f: {  	_ =	shalt  }
0x80: {  	_ =	shalt  }
0x81: {  	_ =	shalt  }
0x82: {  	_ =	shalt  }
0x83: {  	_ =	shalt  }
0x84: {  	_ =	shalt  }
0x85: {  	_ =	shalt  }
0x86: {  	_ =	shalt  }
0x87: {  	_ =	shalt  }
.Lfunc_end0:
.L_simem_size_0:
called_computation_lowered:
.L_overlay_start_0:
0x88: {  	s2 =	sld [smem:$0x3FD9]  }
0x89: {  	s3 =	sld [smem:$0x3FFE];
	_ =	sdelay $0x1  }
0x8a: {  	s1 =	srdreg.scid  }
0x8b: {  	s0 =	sand.u32 $0x1, s1  }
0x8c: {  	s17 =	sshll.u32 s0, $0xA;
	s2 =	sadd.s32 s3, s2  }
0x8d: {  	s2 =	sadd.s32 s2, s17  }
0x8e: {  	[smem:$0x3FBA] =	sst s2  }
0x8f: {  	_ = 	snop  }
0x90: {  	s2 =	sld [smem:$0x3FC5]  }
0x91: {  	s18 =	sld [smem:$0x3FC0];
	(tm) =	ssettm $0x1  }
0x92: {  	s4 =	sld [smem:$0x3FFB];
	_ =	sdelay $0x3  }
0x93: {  	_ =	strace s4  }
0x94: {  	s4 =	sld [smem:$0x3FFC];
	_ =	sdelay $0x3  }
0x95: {  	_ =	strace s4  }
0x96: {  	s4 =	sld [smem:$0x3FFD];
	_ =	sdelay $0x3  }
0x97: {  	_ =	strace s4  }
0x98: {  	_ =	strace $0x8FFFFFFF  }
0x99: {  	s19 =	sld [smem:$0x3FDB];
	_ =	sdelay $0x1  }
0x9a: {  	s5 =	simm.s32 $_scs_section_size  }
0x9b: {  	s6 =	simm.s32 $_size__tile_overlayer_lowered;
	s7 =	simm.s32 $_tile_overlayer_lowered  }
0x9c: {  	s22 =	simm.s32 $0x1BFF;
	s21 =	sshll.u32 s7, $0x1;
	s4 =	sadd.s32 s5, s19  }
0x9d: {  	s8 =	simm.s32 $0x0;
	s20 =	sshll.u32 s6, $0x1;
	s6 =	sadd.s32 s21, s4  }
0x9e: {  	[timem:s8], [sflag:s22] =	dma.local [hbm:s6], s20  }
0x9f: {  	_ =	swait.ge [sflag:s22], s20  }
0xa0: {  	s5 =	ssub.s32 $0x0, s20;
	[sflag:s22] =	ssyncset.done $0x0  }
0xa1: {  	[sflag:s22] =	ssyncadd.s32 s5;
	_ =	sdelay $0x1  }
0xa2: {  	s23 =	simm.s32 $0x1B8B  }
0xa3: {  	_ =	swait.ge [sflag:s23], $0x1  }
0xa4: {  	[sflag:s23] =	ssyncset.done $0x0  }
0xa5: {  	s25 =	simm.s32 $0x1B8E;
	s24 =	sld [smem:$0x3FFE];
	[sflag:s23] =	ssyncadd.s32 $0xFFFFFFFF  }
0xa6: {  	s26 =	simm.s32 $execute0_lowered;
	[smem:$0x3FD2] =	sst s25  }
0xa7: {  	s6 =	sshll.u32 s26, $0x1;
	_ =	strace $0x80000046;
	[dreg:$0x1] =	wrdreg $0xFFFFFFFF  }
0xa8: {  	s28 =	simm.s32 $_size_execute0_lowered;
	s4 =	sadd.s32 s4, s6;
	[dreg:$0x0] =	wrdreg $0x0  }
0xa9: {  	s6 =	sshll.u32 s28, $0x1;
	[dreg:$0x2] =	wrdreg s4  }
0xaa: {  	[dreg:$0x3] =	wrdreg s6  }
0xab: {  	[dreg:$0x4] =	wrdreg $0xC0  }
0xac: {  	_ =	task [dreg:s8], $0x5FFFF  }
0xad: {  	[dreg:$0x1] =	wrdreg $0xFFFFFFFF  }
0xae: {  	[dreg:$0x0] =	wrdreg $0x60  }
0xaf: {  	[dreg:$0x2] =	wrdreg s18  }
0xb0: {  	[dreg:$0x3] =	wrdreg s2  }
0xb1: {  	[dreg:$0x4] =	wrdreg s24  }
0xb2: {  	[dreg:$0x5] =	wrdreg $0x9  }
0xb3: {  	_ =	task.clear_ibuf [dreg:s8], $0x6FFFF;
	_ =	strace $0x90000046  }
0xb4: {  	s29 =	simm.s32 $0x9;
	_ =	strace $0x80000048  }
0xb5: {  	_ =	swait.ge [sflag:s29], $0x1  }
0xb6: {  	[sflag:s29] =	ssyncadd.s32 $0xFFFFFFFF  }
0xb7: {  	_ =	strace $0x90000048  }
0xb8: {  	_ =	sfence  }
0xb9: {  	s30 =	sld [smem:$0x0];
	_ =	sdelay $0x2  }
0xba: {  	s31 =	sshll.u32 s1, $0xD;
	s1 =	sshrl.u32 s1, $0x2  }
0xbb: {  	s3 =	sand.u32 $0x4000, s31;
	s1 =	sadd.s32 s1, s30  }
0xbc: {  	s0 =	sor.u32 s3, s0;
	s1 =	sshll.u32 s1, $0x11  }
0xbd: {  	s0 =	sor.u32 s1, s0  }
0xbe: {  	s0 =	sadd.s32 $0x8F2B, s0  }
0xbf: {  	[sflag:s0] =	ssyncadd.remote.s32 $0x1  }
0xc0: {  	_ =	sfence.sel $0xFFFF  }
0xc1: {  	[dreg:$0x0] =	wrdreg $0xFFFFFFFF;
	(pc) =	sbr.abs _section_cstart, $3  }
0xc2: {  	[dreg:$0x1] =	wrdreg $0xFFFFFFFF  }
0xc3: {  	_ =	task.clear_ibuf [dreg:s8], $0x2FFFF;
	_ =	strace $0x9FFFFFFF  }
0xc4: {  	(tm) =	ssettm $0x7FFFFFFF  }
0xc5: {  	_ =	shalt  }
tec
execute0_lowered:
.L_overlay_start_1:
0x0: {  	(tag) =	ssettag $0x1  }
0x1: {  	s1 =	rddreg [dreg:$0x0];
	s2 =	srdreg.scid  }
0x2: {  	s4 =	rddreg [dreg:$0x1];
	s0 =	stileid.u32;
	s20 =	sand.u32 $0x1, s2  }
0x3: {  	s14 =	rddreg [dreg:$0x2];
	s5 =	sshll.u32 s0, $0xA;
	s6 =	sshll.u32 s20, $0x9  }
0x4: {  	s3 =	simm.s32 $0x0;
	s2 =	rddreg [dreg:$0x3];
	s15 =	sor.u32 s6, s5  }
0x5: {  	[smem:$0x7FF] =	sst s3;
	s5 =	sshrl.u32 s15, $0x3  }
0x6: {  	_ =	strace $0x80000047;
	s4 =	sadd.s32 s4, s5;
	s5 =	simm.s32 $0x4  }
0x7: {  	[tilespmem:s3], [sflag:$0x4] =	stream.linear.gather [hbm4b:s4+s3], $0x200, $0x38;
	[tilespmem:$0x10200] =	vst v63  }
0x8: {  	_ =	swait.ge [sflag:s5], $0x200  }
0x9: {  	[sflag:s5] =	ssyncset.done $0x0  }
0xa: {  	s7 =	simm.s32 $0x200;
	s6 =	simm.s32 $0x80;
	[sflag:s5] =	ssyncadd.s32 $0xFFFFFE00  }
0xb: {  	[tilespmem:s7], [sflag:$0x1] =	stream.indirect.gather [hbm4b:s1+s6], $0x80, s3, s6, $0xb8;
	[tilespmem:$0x10200] =	vst v63  }
0xc: {  	s8 =	simm.s32 $0x4200  }
0xd: {  	[tilespmem:s8], [sflag:$0x2] =	stream.indirect.gather [hbm4b:s1+s6], $0x80, s6, s6, $0xb8;
	[tilespmem:$0x10200] =	vst v63  }
0xe: {  	s9 =	simm.s32 $0x100;
	s10 =	simm.s32 $0x8200  }
0xf: {  	[tilespmem:s10], [sflag:$0x1] =	stream.indirect.gather [hbm4b:s1+s6], $0x80, s9, s6, $0xb8;
	[tilespmem:$0x10200] =	vst v63  }
0x10: {  	s11 =	simm.s32 $0x180;
	s12 =	simm.s32 $0xC200;
	s13 =	simm.s32 $0x1  }
0x11: {  	[tilespmem:s12], [sflag:$0x2] =	stream.indirect.gather [hbm4b:s1+s6], $0x80, s11, s6, $0xb8;
	[tilespmem:$0x10200] =	vst v63  }
0x12: {  	s15 =	sshll.u32 s15, $0x4;
	_ =	swait.ge [sflag:s13], $0x4000  }
0x13: {  	s18 =	sadd.s32 s15, s14;
	[sflag:s13] =	ssyncset.done $0x0  }
0x14: {  	s15 =	simm.s32 $0x2;
	s14 =	sadd.s32 $0x1E00, s18;
	[sflag:s13] =	ssyncadd.s32 $0xFFFFC000  }
0x15: {  	[hbm4b:s14+s3] =	stream.linear.scatter [tilespmem:s7], [sflag:$0x3], $0x4000, $0x38;
	[tilespmem:$0x10200] =	vst v63  }
0x16: {  	_ =	swait.ge [sflag:s15], $0x4000  }
0x17: {  	[sflag:s15] =	ssyncset.done $0x0  }
0x18: {  	s16 =	sadd.s32 $0x2600, s18;
	[sflag:s15] =	ssyncadd.s32 $0xFFFFC000  }
0x19: {  	[hbm4b:s16+s3] =	stream.linear.scatter [tilespmem:s8], [sflag:$0x3], $0x4000, $0x38;
	[tilespmem:$0x10200] =	vst v63  }
0x1a: {  	_ =	swait.ge [sflag:s13], $0x4000  }
0x1b: {  	[sflag:s13] =	ssyncset.done $0x0  }
0x1c: {  	s17 =	sadd.s32 $0x2E00, s18;
	[sflag:s13] =	ssyncadd.s32 $0xFFFFC000  }
0x1d: {  	[hbm4b:s17+s3] =	stream.linear.scatter [tilespmem:s10], [sflag:$0x3], $0x4000, $0x38;
	[tilespmem:$0x10200] =	vst v63  }
0x1e: {  	_ =	swait.ge [sflag:s15], $0x4000  }
0x1f: {  	[sflag:s15] =	ssyncset.done $0x0  }
0x20: {  	s19 =	sadd.s32 $0x3600, s18;
	s18 =	simm.s32 $0x3;
	[sflag:s15] =	ssyncadd.s32 $0xFFFFC000  }
0x21: {  	[hbm4b:s19+s3] =	stream.linear.scatter [tilespmem:s12], [sflag:$0x3], $0x4000, $0x38;
	[tilespmem:$0x10200] =	vst v63  }
0x22: {  	_ =	swait.ge [sflag:s18], $0x4000  }
0x23: {  	s20 =	ssub.s32 $0x2, s20;
	[sflag:s18] =	ssyncset.done $0x0  }
0x24: {  	s21 =	sshrl.u32 s20, $0x1;
	[sflag:s18] =	ssyncadd.s32 $0xFFFFC000  }
0x25: {  	s20 =	ssub.s32 s20, s21;
	_ =	swait.ge [sflag:s18], $0x4000  }
0x26: {  	s20 =	smax.u32 s20, $0x1;
	[sflag:s18] =	ssyncset.done $0x0  }
0x27: {  	p0 =	sne.s32 s20, $0x1;
	[sflag:s18] =	ssyncadd.s32 $0xFFFFC000  }
.Ltmp0:
0x28: {  	_ =	swait.ge [sflag:s18], $0x4000;
	(pc) =	sbr.rel @!p0 .LBB2_2-.Ltmp0, $4  }
0x29: {  	[sflag:s18] =	ssyncset.done $0x0  }
0x2a: {  	[sflag:s18] =	ssyncadd.s32 $0xFFFFC000  }
0x2b: {  	_ =	swait.ge [sflag:s18], $0x4000  }
0x2c: {  	s20 =	sadd.s32 $0xFFFFFFFF, s20;
	[sflag:s18] =	ssyncset.done $0x0  }
.LBB2_1:
0x2d: {  	p0 =	sne.s32 s20, $0x1;
	s20 =	sadd.s32 $0xFFFFFFFF, s20;
	[sflag:s18] =	ssyncadd.s32 $0xFFFFC000  }
0x2e: {  	[tilespmem:s3], [sflag:$0x4] =	stream.linear.gather [hbm4b:s4+s3], $0x200, $0x38;
	[tilespmem:$0x10200] =	vst v63  }
0x2f: {  	_ =	swait.ge [sflag:s5], $0x200  }
0x30: {  	[sflag:s5] =	ssyncset.done $0x0  }
0x31: {  	[sflag:s5] =	ssyncadd.s32 $0xFFFFFE00  }
0x32: {  	[tilespmem:s7], [sflag:$0x1] =	stream.indirect.gather [hbm4b:s1+s6], $0x80, s3, s6, $0xb8;
	[tilespmem:$0x10200] =	vst v63  }
0x33: {  	_ = 	snop  }
0x34: {  	[tilespmem:s8], [sflag:$0x2] =	stream.indirect.gather [hbm4b:s1+s6], $0x80, s6, s6, $0xb8;
	[tilespmem:$0x10200] =	vst v63  }
0x35: {  	_ = 	snop  }
0x36: {  	[tilespmem:s10], [sflag:$0x1] =	stream.indirect.gather [hbm4b:s1+s6], $0x80, s9, s6, $0xb8;
	[tilespmem:$0x10200] =	vst v63  }
0x37: {  	_ = 	snop  }
0x38: {  	[tilespmem:s12], [sflag:$0x2] =	stream.indirect.gather [hbm4b:s1+s6], $0x80, s11, s6, $0xb8;
	[tilespmem:$0x10200] =	vst v63  }
0x39: {  	_ =	swait.ge [sflag:s13], $0x4000  }
0x3a: {  	[sflag:s13] =	ssyncset.done $0x0  }
0x3b: {  	[sflag:s13] =	ssyncadd.s32 $0xFFFFC000  }
0x3c: {  	[hbm4b:s14+s3] =	stream.linear.scatter [tilespmem:s7], [sflag:$0x3], $0x4000, $0x38;
	[tilespmem:$0x10200] =	vst v63  }
0x3d: {  	_ =	swait.ge [sflag:s15], $0x4000  }
0x3e: {  	[sflag:s15] =	ssyncset.done $0x0  }
0x3f: {  	[sflag:s15] =	ssyncadd.s32 $0xFFFFC000  }
0x40: {  	[hbm4b:s16+s3] =	stream.linear.scatter [tilespmem:s8], [sflag:$0x3], $0x4000, $0x38;
	[tilespmem:$0x10200] =	vst v63  }
0x41: {  	_ =	swait.ge [sflag:s13], $0x4000  }
0x42: {  	[sflag:s13] =	ssyncset.done $0x0  }
0x43: {  	[sflag:s13] =	ssyncadd.s32 $0xFFFFC000  }
0x44: {  	[hbm4b:s17+s3] =	stream.linear.scatter [tilespmem:s10], [sflag:$0x3], $0x4000, $0x38;
	[tilespmem:$0x10200] =	vst v63  }
0x45: {  	_ =	swait.ge [sflag:s15], $0x4000  }
0x46: {  	[sflag:s15] =	ssyncset.done $0x0  }
0x47: {  	[sflag:s15] =	ssyncadd.s32 $0xFFFFC000  }
0x48: {  	[hbm4b:s19+s3] =	stream.linear.scatter [tilespmem:s12], [sflag:$0x3], $0x4000, $0x38;
	[tilespmem:$0x10200] =	vst v63  }
0x49: {  	_ =	swait.ge [sflag:s18], $0x4000  }
0x4a: {  	[sflag:s18] =	ssyncset.done $0x0  }
0x4b: {  	[sflag:s18] =	ssyncadd.s32 $0xFFFFC000  }
0x4c: {  	_ =	swait.ge [sflag:s18], $0x4000  }
0x4d: {  	[sflag:s18] =	ssyncset.done $0x0  }
0x4e: {  	[sflag:s18] =	ssyncadd.s32 $0xFFFFC000  }
.Ltmp1:
0x4f: {  	_ =	swait.ge [sflag:s18], $0x4000;
	(pc) =	sbr.rel @p0 .LBB2_1-.Ltmp1, $4  }
0x50: {  	[sflag:s18] =	ssyncset.done $0x0  }
0x51: {  	[sflag:s18] =	ssyncadd.s32 $0xFFFFC000  }
0x52: {  	_ =	swait.ge [sflag:s18], $0x4000  }
0x53: {  	[sflag:s18] =	ssyncset.done $0x0  }
.LBB2_2:
0x54: {  	[sflag:s18] =	ssyncadd.s32 $0xFFFFC000  }
0x55: {  	_ =	sfence.sel $0x180000  }
0x56: {  	[bflag:$0x0] =	sbarrier.arrive $0xFFFF  }
0x57: {  	p0 =	sne.s32 s0, $0x0;
	_ =	strace $0x90000047  }
0x58: {  	s0 =	sadd.s32 @!p0 $0x100000, s2;
	[bflag:$0x2] =	sbarrier.arrive $0xFFFF  }
0x59: {  	[sflag:s0] =	ssyncadd.tile.s32 @!p0 $0x1;
	_ =	shalt  }
.Lfunc_end2:
_tile_overlayer_lowered:
.L_overlay_start_2:
0x5a: {  	(tag) =	ssettag $0x2  }
0x5b: {  	s0 =	rddreg [dreg:$0x0];
	s2 =	stileid.u32  }
0x5c: {  	s1 =	rddreg [dreg:$0x1];
	p0 =	sne.s32 s2, $0x0  }
0x5d: {  	s3 =	rddreg [dreg:$0x2];
	[bflag:$0x3] =	sbarrier.arrive $0xFFFF;
	s2 =	simm.s32 @!p0 $0x1C04  }
0x5e: {  	[timem:s3], [sflag:s2] =	dma.local @!p0 [hbm:s0], s1  }
0x5f: {  	s0 =	simm.s32 @!p0 $0x4  }
0x60: {  	_ =	swait.ge @!p0 [sflag:s0], s1  }
0x61: {  	s1 =	ssub.s32 @!p0 $0x0, s1;
	[sflag:s0] =	ssyncset.done @!p0 $0x0  }
0x62: {  	[sflag:s0] =	ssyncadd.s32 @!p0 s1  }
0x63: {  	[bflag:$0x3] =	sbarrier.arrive $0xFFFF  }
0x64: {  	_ =	shalt  }

</sc_bundles>
